<compile_context>
chip_gen: v7x
topology: tpu7x:2x2x1
jax: 0.10.2.dev20260603
libtpu: 0.0.44.dev20260713+nightly
codegen_flags: <defaults>
</compile_context>

<pallas_src>
import functools

import jax
import jax.numpy as jnp
from jax import lax
from jax.experimental import pallas as pl
from jax.experimental.pallas import tpu as pltpu
from jax.experimental.pallas import tpu_sc as plsc

C = 26
V = 100000
E = 16
B = 4096
TOTAL = B * C
NUM_CORES = 2
NUM_SUBCORES = 16
NW = NUM_CORES * NUM_SUBCORES
B_PER_W = TOTAL // NW
CHUNK = 128
N_CHUNKS = B_PER_W // CHUNK
LANES = 16


def _gather_kernel(inp_hbm, off_hbm, tab_hbm, out_hbm, inp_v, off_v, idx_v,
                   rows_v, sem):
    wid = lax.axis_index("s") * NUM_CORES + lax.axis_index("c")
    base = wid * B_PER_W

    pltpu.sync_copy(inp_hbm.at[pl.ds(base, B_PER_W)], inp_v)
    pltpu.sync_copy(off_hbm, off_v)

    def add_body(i, carry):
        s = i * LANES
        idx_v[pl.ds(s, LANES)] = inp_v[pl.ds(s, LANES)] + off_v[pl.ds(s, LANES)]
        return carry

    lax.fori_loop(0, B_PER_W // LANES, add_body, 0)

    def fire_body(j, carry):
        s = j * CHUNK
        pltpu.async_copy(
            tab_hbm.at[idx_v.at[pl.ds(s, CHUNK)]],
            rows_v.at[pl.ds(s, CHUNK)],
            sem,
        )
        return carry

    lax.fori_loop(0, N_CHUNKS, fire_body, 0)
    pltpu.make_async_copy(tab_hbm.at[pl.ds(0, B_PER_W)], rows_v, sem).wait()

    pltpu.sync_copy(rows_v, out_hbm.at[pl.ds(base, B_PER_W)])


@jax.jit
def kernel(inp, tables):
    inp_flat = inp.reshape(TOTAL)
    tab_flat = tables.reshape(C * V, E)
    offsets = jnp.tile(jnp.arange(C, dtype=jnp.int32) * V, B_PER_W // C)

    mesh = plsc.VectorSubcoreMesh(core_axis_name="c", subcore_axis_name="s")
    run = functools.partial(
        pl.kernel,
        mesh=mesh,
        compiler_params=pltpu.CompilerParams(use_tc_tiling_on_sc=False),
        out_type=jax.ShapeDtypeStruct((TOTAL, E), jnp.float32),
        scratch_types=[
            pltpu.VMEM((B_PER_W,), jnp.int32),
            pltpu.VMEM((B_PER_W,), jnp.int32),
            pltpu.VMEM((B_PER_W,), jnp.int32),
            pltpu.VMEM((B_PER_W, E), jnp.float32),
            pltpu.SemaphoreType.DMA,
        ],
    )(_gather_kernel)
    out = run(inp_flat, offsets, tab_flat)
    return out.reshape(B, C * E)

# --- scband reference (transcript-rebuilt; emitter-appended) ---
"""Pipeline reference for scband-categorical-head-tabular-26577257628325 (READ-ONLY COPY).

The authoritative reference and input builder live on the scoring server;
editing this copy changes nothing except your own understanding.
"""

import jax, jax.numpy as jnp
import numpy as np

NUM_COLS = 26
VOCAB = 100000
EMB = 16
BATCH = 4096


def setup_inputs(seed: int = 0) -> dict:
    key = jax.random.key(seed)
    k1, k2 = jax.random.split(key)
    inp = jax.random.randint(k1, (BATCH, NUM_COLS), 0, VOCAB, dtype=jnp.int32)
    # 26 embedding tables, one per categorical column, stacked: [C, VOCAB, EMB]
    tables = jax.random.normal(k2, (NUM_COLS, VOCAB, EMB), dtype=jnp.float32) * 0.05
    return {"inp": inp, "tables": tables}


def reference(inp, tables):
    # CategoricalHeadTabular forward at inference time:
    # - input NoiseMaker (CutMix) is identity when not training
    # - per-column embedding lookup: slice column k, embed with table k
    # - concat along column axis, flatten -> [B, C*EMB]
    # - embedding NoiseMaker is identity when not training
    col_ids = jnp.arange(NUM_COLS)[None, :]  # [1, C]
    emb = tables[col_ids, inp]  # gather -> [B, C, EMB]
    return emb.reshape(inp.shape[0], NUM_COLS * EMB)

if __name__ == "__main__":
    import jax
    _d = setup_inputs()
    print(jax.jit(kernel)(*tuple(_d.values())))

</pallas_src>

<mosaic_0001>
#map = affine_map<(d0, d1) -> (0)>
#map1 = affine_map<(d0, d1) -> (0, 0)>
module attributes {stable_mosaic.version = 14 : i64} {
  func.func @_gather_kernel(%arg0: i32, %arg1: i32, %arg2: memref<106496xi32, #tpu.memory_space<hbm>>, %arg3: memref<3328xi32, #tpu.memory_space<hbm>>, %arg4: memref<2600000x16xf32, #tpu.memory_space<hbm>>, %arg5: memref<106496x16xf32, #tpu.memory_space<hbm>>, %arg6: memref<3328xi32, #tpu.memory_space<vmem>>, %arg7: memref<3328xi32, #tpu.memory_space<vmem>>, %arg8: memref<3328xi32, #tpu.memory_space<vmem>>, %arg9: memref<3328x16xf32, #tpu.memory_space<vmem>>, %arg10: memref<!tpu.dma_semaphore, #tpu.memory_space<semaphore_mem>>) attributes {dimension_semantics = [#tpu.dimension_semantics<core_parallel>, #tpu.dimension_semantics<subcore_parallel>], iteration_bounds = array<i64: 2, 16>, scalar_prefetch = 0 : i64, scratch_operands = 5 : i64, tpu.core_type = #tpu.core_type<sc_vector_subcore>, window_params = [{transform_indices = #map}, {transform_indices = #map}, {transform_indices = #map1}, {transform_indices = #map1}]} {
    %mul3A = arith.constant 2 : i32
    %mul3A_0 = arith.muli %arg1, %mul3A : i32
    %add3A = arith.addi %mul3A_0, %arg0 : i32
    %mul3A_1 = arith.constant 3328 : i32
    %mul3A_2 = arith.muli %add3A, %mul3A_1 : i32
    "tpu.region"() ({
      %run_scoped3A = tpu.sem_alloc : memref<!tpu.dma_semaphore, #tpu.memory_space<semaphore_mem>>
      %dma_start3A = tpu.memref_slice %arg2[%mul3A_2] : memref<106496xi32, #tpu.memory_space<hbm>> -> memref<3328xi32, #tpu.memory_space<hbm>>
      %dma_start3A_19 = tpu.memref_slice %arg2[%mul3A_2] : memref<106496xi32, #tpu.memory_space<hbm>> -> memref<3328xi32, #tpu.memory_space<hbm>>
      tpu.enqueue_dma source(%dma_start3A_19 : memref<3328xi32, #tpu.memory_space<hbm>>) target(%arg6 : memref<3328xi32, #tpu.memory_space<vmem>>) target_semaphore(%run_scoped3A : memref<!tpu.dma_semaphore, #tpu.memory_space<semaphore_mem>>)
      %dma_wait3A_20 = tpu.memref_slice %arg2[%mul3A_2] : memref<106496xi32, #tpu.memory_space<hbm>> -> memref<3328xi32, #tpu.memory_space<hbm>>
      %dma_wait3A_21 = tpu.memref_slice %arg2[%mul3A_2] : memref<106496xi32, #tpu.memory_space<hbm>> -> memref<3328xi32, #tpu.memory_space<hbm>>
      tpu.wait_dma2 semaphore(%run_scoped3A : memref<!tpu.dma_semaphore, #tpu.memory_space<semaphore_mem>>) src(%dma_wait3A_21 : memref<3328xi32, #tpu.memory_space<hbm>>) dst(%arg6 : memref<3328xi32, #tpu.memory_space<vmem>>)
      tpu.yield
    }) : () -> ()
    "tpu.region"() ({
      %run_scoped3A = tpu.sem_alloc : memref<!tpu.dma_semaphore, #tpu.memory_space<semaphore_mem>>
      tpu.enqueue_dma source(%arg3 : memref<3328xi32, #tpu.memory_space<hbm>>) target(%arg7 : memref<3328xi32, #tpu.memory_space<vmem>>) target_semaphore(%run_scoped3A : memref<!tpu.dma_semaphore, #tpu.memory_space<semaphore_mem>>)
      tpu.wait_dma2 semaphore(%run_scoped3A : memref<!tpu.dma_semaphore, #tpu.memory_space<semaphore_mem>>) src(%arg3 : memref<3328xi32, #tpu.memory_space<hbm>>) dst(%arg7 : memref<3328xi32, #tpu.memory_space<vmem>>)
      tpu.yield
    }) : () -> ()
    %scan3A = arith.constant 0 : i32
    %scan3A_3 = arith.constant 0 : i32
    %scan3A_4 = arith.constant 208 : i32
    %scan3A_5 = arith.addi %scan3A_3, %scan3A_4 : i32
    %scan3A_6 = arith.constant 1 : i32
    scf.for %scan3A_19 = %scan3A_3 to %scan3A_5 step %scan3A_6  : i32 {
      %mul3A_20 = arith.constant 16 : i32
      %mul3A_21 = arith.muli %scan3A_19, %mul3A_20 : i32
      %get3A = arith.index_cast %mul3A_21 : i32 to index
      %get3A_22 = tpu.vector_load %arg6[%get3A] {strides = array<i32>} : memref<3328xi32, #tpu.memory_space<vmem>>, vector<16xi32>,
      %get3A_23 = vector.shape_cast %get3A_22 : vector<16xi32> to vector<16xi32>
      %get3A_24 = arith.index_cast %mul3A_21 : i32 to index
      %get3A_25 = tpu.vector_load %arg7[%get3A_24] {strides = array<i32>} : memref<3328xi32, #tpu.memory_space<vmem>>, vector<16xi32>,
      %get3A_26 = vector.shape_cast %get3A_25 : vector<16xi32> to vector<16xi32>
      %add3A_27 = arith.addi %get3A_23, %get3A_26 : vector<16xi32>
      %swap3A = arith.index_cast %mul3A_21 : i32 to index
      %swap3A_28 = tpu.vector_load %arg8[%swap3A] {strides = array<i32>} : memref<3328xi32, #tpu.memory_space<vmem>>, vector<16xi32>,
      %swap3A_29 = vector.shape_cast %swap3A_28 : vector<16xi32> to vector<16xi32>
      %swap3A_30 = vector.shape_cast %add3A_27 : vector<16xi32> to vector<16xi32>
      tpu.vector_store %arg8[%swap3A], %swap3A_30 {strides = array<i32>} : memref<3328xi32, #tpu.memory_space<vmem>>, vector<16xi32>,
    }
    %scan3A_7 = arith.constant 208 : i32
    %scan3A_8 = arith.constant 0 : i32
    %scan3A_9 = arith.constant 0 : i32
    %scan3A_10 = arith.constant 26 : i32
    %scan3A_11 = arith.addi %scan3A_9, %scan3A_10 : i32
    %scan3A_12 = arith.constant 1 : i32
    scf.for %scan3A_19 = %scan3A_9 to %scan3A_11 step %scan3A_12  : i32 {
      %mul3A_20 = arith.constant 128 : i32
      %mul3A_21 = arith.muli %scan3A_19, %mul3A_20 : i32
      %dma_start3A = arith.constant 0 : i32
      %dma_start3A_22 = tpu.memref_slice %arg9[%mul3A_21, %dma_start3A] : memref<3328x16xf32, #tpu.memory_space<vmem>> -> memref<128x16xf32, #tpu.memory_space<vmem>>
      %dma_start3A_23 = tpu.memref_slice %arg8[%mul3A_21] : memref<3328xi32, #tpu.memory_space<vmem>> -> memref<128xi32, #tpu.memory_space<vmem>>
      %dma_start3A_24 = arith.constant 0 : i32
      %dma_start3A_25 = arith.constant 0 : i32
      %dma_start3A_26 = tpu.memref_slice %arg4[%dma_start3A_24, %dma_start3A_25] : memref<2600000x16xf32, #tpu.memory_space<hbm>> -> memref<2600000x16xf32, #tpu.memory_space<hbm>>
      tpu.enqueue_indirect_dma source(%dma_start3A_26 : memref<2600000x16xf32, #tpu.memory_space<hbm>>) target(%dma_start3A_22 : memref<128x16xf32, #tpu.memory_space<vmem>>) offsets(%dma_start3A_23 : memref<128xi32, #tpu.memory_space<vmem>>) semaphore(%arg10 : memref<!tpu.dma_semaphore, #tpu.memory_space<semaphore_mem>>)
    }
    %scan3A_13 = arith.constant 26 : i32
    %dma_wait3A = arith.constant 0 : i32
    %dma_wait3A_14 = arith.constant 0 : i32
    %dma_wait3A_15 = tpu.memref_slice %arg4[%dma_wait3A, %dma_wait3A_14] : memref<2600000x16xf32, #tpu.memory_space<hbm>> -> memref<3328x16xf32, #tpu.memory_space<hbm>>
    %dma_wait3A_16 = arith.constant 0 : i32
    %dma_wait3A_17 = arith.constant 0 : i32
    %dma_wait3A_18 = tpu.memref_slice %arg4[%dma_wait3A_16, %dma_wait3A_17] : memref<2600000x16xf32, #tpu.memory_space<hbm>> -> memref<3328x16xf32, #tpu.memory_space<hbm>>
    tpu.wait_dma2 semaphore(%arg10 : memref<!tpu.dma_semaphore, #tpu.memory_space<semaphore_mem>>) src(%dma_wait3A_18 : memref<3328x16xf32, #tpu.memory_space<hbm>>) dst(%arg9 : memref<3328x16xf32, #tpu.memory_space<vmem>>)
    "tpu.region"() ({
      %run_scoped3A = tpu.sem_alloc : memref<!tpu.dma_semaphore, #tpu.memory_space<semaphore_mem>>
      %dma_start3A = arith.constant 0 : i32
      %dma_start3A_19 = tpu.memref_slice %arg5[%mul3A_2, %dma_start3A] : memref<106496x16xf32, #tpu.memory_space<hbm>> -> memref<3328x16xf32, #tpu.memory_space<hbm>>
      %dma_start3A_20 = arith.constant 0 : i32
      %dma_start3A_21 = tpu.memref_slice %arg5[%mul3A_2, %dma_start3A_20] : memref<106496x16xf32, #tpu.memory_space<hbm>> -> memref<3328x16xf32, #tpu.memory_space<hbm>>
      tpu.enqueue_dma source(%arg9 : memref<3328x16xf32, #tpu.memory_space<vmem>>) target(%dma_start3A_21 : memref<3328x16xf32, #tpu.memory_space<hbm>>) target_semaphore(%run_scoped3A : memref<!tpu.dma_semaphore, #tpu.memory_space<semaphore_mem>>)
      %dma_wait3A_22 = arith.constant 0 : i32
      %dma_wait3A_23 = tpu.memref_slice %arg5[%mul3A_2, %dma_wait3A_22] : memref<106496x16xf32, #tpu.memory_space<hbm>> -> memref<3328x16xf32, #tpu.memory_space<hbm>>
      %dma_wait3A_24 = arith.constant 0 : i32
      %dma_wait3A_25 = tpu.memref_slice %arg5[%mul3A_2, %dma_wait3A_24] : memref<106496x16xf32, #tpu.memory_space<hbm>> -> memref<3328x16xf32, #tpu.memory_space<hbm>>
      tpu.wait_dma2 semaphore(%run_scoped3A : memref<!tpu.dma_semaphore, #tpu.memory_space<semaphore_mem>>) src(%arg9 : memref<3328x16xf32, #tpu.memory_space<vmem>>) dst(%dma_wait3A_25 : memref<3328x16xf32, #tpu.memory_space<hbm>>)
      tpu.yield
    }) : () -> ()
    return
  }
}

</mosaic_0001>

<sc_bundles>
// kernel: kernel.3.cloned.1.call-start
scs
__scs_entry_jumppad:
0x0: {  	(pc) =	sbr.rel $0x88, $3  }
0x1: {  	(tag) =	ssettag $0x0;
	lr =	simm.s32 $0x1  }
0x2: {  	[smem:$0x3F9F] =	sst lr;
	_ =	strace $0xD0000000  }
0x3: {  	_ = 	snop  }
0x4: {  	_ = 	snop  }
0x5: {  	_ = 	snop  }
0x6: {  	_ = 	snop  }
0x7: {  	_ = 	snop  }
__scs_overlays_trampoline_lowered:
0x8: {  	[smem:$0x3FAE] =	sst s0  }
0x9: {  	[smem:$0x3FAF] =	sst s1  }
0xa: {  	[smem:$0x3FB0] =	sst s2  }
0xb: {  	[smem:$0x3FB1] =	sst s3  }
0xc: {  	[smem:$0x3FB2] =	sst s4  }
0xd: {  	[smem:$0x3FB3] =	sst s5  }
0xe: {  	[smem:$0x3FB4] =	sst s6  }
0xf: {  	[smem:$0x3FB5] =	sst s7  }
0x10: {  	[smem:$0x3FB6] =	sst s8  }
0x11: {  	[smem:$0x3FB7] =	sst s9;
	s0 =	simm.s32 @!p0 $0x0  }
0x12: {  	s1 =	sld [smem:$0x3F9D];
	s0 =	simm.s32 @p0 $0x1  }
0x13: {  	[smem:$0x3FB8] =	sst s0;
	s0 =	simm.s32 @!p1 $0x0  }
0x14: {  	s2 =	sld [smem:$0x3F9C];
	s0 =	simm.s32 @p1 $0x1  }
0x15: {  	[smem:$0x3FB9] =	sst s0;
	s0 =	simm.s32 @!p2 $0x0  }
0x16: {  	s3 =	sld [smem:$0x3FDB];
	s0 =	simm.s32 @p2 $0x1  }
0x17: {  	s4 =	simm.s32 $0x1BF5;
	[smem:$0x3FBB] =	sst s0  }
0x18: {  	s0 =	sld [smem:$0x3F9E];
	_ =	swait.ge [sflag:s4], $0x0  }
0x19: {  	s7 =	sld [smem:$0x3F9F]  }
0x1a: {  	s8 =	sadd.s32 $0xFFFFE003, lr  }
0x1b: {  	s9 =	sadd.s32 $0xFFFFFEF7, lr;
	s5 =	simm.s32 $0xFFFFFFFF;
	p2 =	slt.u32 s8, $0xFFFFF086  }
0x1c: {  	p1 =	slt.u32 s9, $0xF7A;
	s5 =	simm.s32 @!p2 $0x0  }
0x1d: {  	s5 =	simm.s32 @p1 $0x1;
	p0 =	seq.s32 s7, s2  }
0x1e: {  	s7 =	smul.u32 @!p0 $0xF7A, s2;
	p2 =	seq.s32 @!p0 s5, $0x0  }
0x1f: {  	s9 =	smul.u32 $0xF7A, s1;
	s8 =	simm.s32 @!p0 $0x1BF5;
	p2 =	por !p2, p0  }
0x20: {  	[sflag:s8] =	ssyncset.s32 @!p0 $0xFFFFF086;
	s6 =	sadd.s32 @!p0 s3, s7;
	s7 =	simm.s32 @!p0 $0x108  }
0x21: {  	s3 =	sadd.s32 s3, s9;
	s6 =	sadd.s32 @!p0 $0x88, s6;
	s7 =	simm.s32 @p2 $0x1082  }
0x22: {  	[simem:s7], [sflag:s8] =	dma.local @!p0 [hbm:s6], $0xF7A  }
0x23: {  	s9 =	sor.u32 $0xD0000000, s2;
	s6 =	simm.s32 $0x108;
	_ =	swait.ge @!p0 [sflag:s8], $0x0  }
0x24: {  	s3 =	sadd.s32 $0x88, s3;
	s6 =	simm.s32 @!p1 $0x1082;
	[sflag:s4] =	ssyncset.s32 $0xFFFFF086  }
0x25: {  	[simem:s6], [sflag:s4] =	dma.local [hbm:s3], $0xF7A  }
0x26: {  	[smem:$0x3F9F] =	sst s1;
	(tag) =	ssettag s2;
	_ =	strace s9  }
0x27: {  	s1 =	sld [smem:$0x3FAF]  }
0x28: {  	s2 =	sld [smem:$0x3FB0]  }
0x29: {  	s4 =	sld [smem:$0x3FB2]  }
0x2a: {  	p0 =	seq.s32 s5, $0x0;
	s5 =	sld [smem:$0x3FB3]  }
0x2b: {  	s6 =	sld [smem:$0x3FB4]  }
0x2c: {  	s7 =	sld [smem:$0x3FB5]  }
0x2d: {  	s3 =	simm.s32 $0x108;
	s8 =	sld [smem:$0x3FB6]  }
0x2e: {  	s3 =	simm.s32 @!p0 $0x1082;
	s9 =	sld [smem:$0x3FB7]  }
0x2f: {  	lr =	sadd.s32 s0, s3;
	s0 =	sld [smem:$0x3FAE]  }
0x30: {  	s3 =	sld [smem:$0x3FB1]  }
0x31: {  	[smem:$0x3FBA] =	sst s10  }
0x32: {  	s10 =	sld [smem:$0x3FB8];
	_ =	sdelay $0x3  }
0x33: {  	p0 =	seq.s32 s10, $0x1;
	s10 =	sld [smem:$0x3FBA];
	_ =	sdelay $0x3  }
0x34: {  	[smem:$0x3FBA] =	sst s10  }
0x35: {  	s10 =	sld [smem:$0x3FB9];
	_ =	sdelay $0x3  }
0x36: {  	p1 =	seq.s32 s10, $0x1;
	s10 =	sld [smem:$0x3FBA];
	_ =	sdelay $0x3  }
0x37: {  	[smem:$0x3FBA] =	sst s10  }
0x38: {  	s10 =	sld [smem:$0x3FBB]  }
0x39: {  	_ = 	snop;
	(pc) =	sbr.ind lr, $3  }
0x3a: {  	_ = 	snop  }
0x3b: {  	_ = 	snop  }
0x3c: {  	p2 =	seq.s32 s10, $0x1;
	s10 =	sld [smem:$0x3FBA]  }
0x3d: {  	_ =	shalt  }
0x3e: {  	_ =	shalt  }
0x3f: {  	_ =	shalt  }
0x40: {  	_ =	shalt  }
0x41: {  	_ =	shalt  }
0x42: {  	_ =	shalt  }
0x43: {  	_ =	shalt  }
0x44: {  	_ =	shalt  }
0x45: {  	_ =	shalt  }
0x46: {  	_ =	shalt  }
0x47: {  	_ =	shalt  }
0x48: {  	_ =	shalt  }
0x49: {  	_ =	shalt  }
0x4a: {  	_ =	shalt  }
0x4b: {  	_ =	shalt  }
0x4c: {  	_ =	shalt  }
0x4d: {  	_ =	shalt  }
0x4e: {  	_ =	shalt  }
0x4f: {  	_ =	shalt  }
0x50: {  	_ =	shalt  }
0x51: {  	_ =	shalt  }
0x52: {  	_ =	shalt  }
0x53: {  	_ =	shalt  }
0x54: {  	_ =	shalt  }
0x55: {  	_ =	shalt  }
0x56: {  	_ =	shalt  }
0x57: {  	_ =	shalt  }
0x58: {  	_ =	shalt  }
0x59: {  	_ =	shalt  }
0x5a: {  	_ =	shalt  }
0x5b: {  	_ =	shalt  }
0x5c: {  	_ =	shalt  }
0x5d: {  	_ =	shalt  }
0x5e: {  	_ =	shalt  }
0x5f: {  	_ =	shalt  }
0x60: {  	_ =	shalt  }
0x61: {  	_ =	shalt  }
0x62: {  	_ =	shalt  }
0x63: {  	_ =	shalt  }
0x64: {  	_ =	shalt  }
0x65: {  	_ =	shalt  }
0x66: {  	_ =	shalt  }
0x67: {  	_ =	shalt  }
0x68: {  	_ =	shalt  }
0x69: {  	_ =	shalt  }
0x6a: {  	_ =	shalt  }
0x6b: {  	_ =	shalt  }
0x6c: {  	_ =	shalt  }
0x6d: {  	_ =	shalt  }
0x6e: {  	_ =	shalt  }
0x6f: {  	_ =	shalt  }
0x70: {  	_ =	shalt  }
0x71: {  	_ =	shalt  }
0x72: {  	_ =	shalt  }
0x73: {  	_ =	shalt  }
0x74: {  	_ =	shalt  }
0x75: {  	_ =	shalt  }
0x76: {  	_ =	shalt  }
0x77: {  	_ =	shalt  }
0x78: {  	_ =	shalt  }
0x79: {  	_ =	shalt  }
0x7a: {  	_ =	shalt  }
0x7b: {  	_ =	shalt  }
0x7c: {  	_ =	shalt  }
0x7d: {  	_ =	shalt  }
0x7e: {  	_ =	shalt  }
0x7f: {  	_ =	shalt  }
0x80: {  	_ =	shalt  }
0x81: {  	_ =	shalt  }
0x82: {  	_ =	shalt  }
0x83: {  	_ =	shalt  }
0x84: {  	_ =	shalt  }
0x85: {  	_ =	shalt  }
0x86: {  	_ =	shalt  }
0x87: {  	_ =	shalt  }
.Lfunc_end0:
.L_simem_size_0:
called_computation_lowered:
.L_overlay_start_0:
0x88: {  	s2 =	sld [smem:$0x3FD9]  }
0x89: {  	s3 =	sld [smem:$0x3FFE];
	_ =	sdelay $0x1  }
0x8a: {  	s1 =	srdreg.scid  }
0x8b: {  	s0 =	sand.u32 $0x1, s1  }
0x8c: {  	s17 =	sshll.u32 s0, $0xA;
	s2 =	sadd.s32 s3, s2  }
0x8d: {  	s2 =	sadd.s32 s2, s17  }
0x8e: {  	[smem:$0x3FC6] =	sst s2  }
0x8f: {  	_ = 	snop  }
0x90: {  	s2 =	sld [smem:$0x3FD0];
	(tm) =	ssettm $0x1  }
0x91: {  	s18 =	sld [smem:$0x3FFB];
	_ =	sdelay $0x3  }
0x92: {  	_ =	strace s18  }
0x93: {  	s3 =	sld [smem:$0x3FFC];
	_ =	sdelay $0x3  }
0x94: {  	_ =	strace s3  }
0x95: {  	s3 =	sld [smem:$0x3FFD];
	_ =	sdelay $0x3  }
0x96: {  	_ =	strace s3  }
0x97: {  	_ =	strace $0x8FFFFFFF  }
0x98: {  	s19 =	sld [smem:$0x3FDB];
	_ =	sdelay $0x1  }
0x99: {  	s4 =	simm.s32 $_scs_section_size  }
0x9a: {  	s5 =	simm.s32 $_size__tile_overlayer_lowered;
	s6 =	simm.s32 $_tile_overlayer_lowered  }
0x9b: {  	s22 =	simm.s32 $0x1BFF;
	s21 =	sshll.u32 s6, $0x1;
	s3 =	sadd.s32 s4, s19  }
0x9c: {  	s7 =	simm.s32 $0x0;
	s20 =	sshll.u32 s5, $0x1;
	s5 =	sadd.s32 s21, s3  }
0x9d: {  	[timem:s7], [sflag:s22] =	dma.local [hbm:s5], s20  }
0x9e: {  	_ =	swait.ge [sflag:s22], s20  }
0x9f: {  	s4 =	ssub.s32 $0x0, s20;
	[sflag:s22] =	ssyncset.done $0x0  }
0xa0: {  	[sflag:s22] =	ssyncadd.s32 s4;
	_ =	sdelay $0x1  }
0xa1: {  	s23 =	simm.s32 $0x1B8B  }
0xa2: {  	_ =	swait.ge [sflag:s23], $0x1  }
0xa3: {  	[sflag:s23] =	ssyncset.done $0x0  }
0xa4: {  	s25 =	simm.s32 $0x1B8E;
	s24 =	sld [smem:$0x3FFE];
	[sflag:s23] =	ssyncadd.s32 $0xFFFFFFFF  }
0xa5: {  	s26 =	simm.s32 $execute0_lowered;
	[smem:$0x3FD2] =	sst s25  }
0xa6: {  	s5 =	sshll.u32 s26, $0x1;
	_ =	strace $0x80000046;
	[dreg:$0x1] =	wrdreg $0xFFFFFFFF  }
0xa7: {  	s28 =	simm.s32 $_size_execute0_lowered;
	s3 =	sadd.s32 s3, s5;
	[dreg:$0x0] =	wrdreg $0x0  }
0xa8: {  	s5 =	sshll.u32 s28, $0x1;
	[dreg:$0x2] =	wrdreg s3  }
0xa9: {  	[dreg:$0x3] =	wrdreg s5  }
0xaa: {  	[dreg:$0x4] =	wrdreg $0xC0  }
0xab: {  	_ =	task [dreg:s7], $0x5FFFF  }
0xac: {  	[dreg:$0x1] =	wrdreg $0xFFFFFFFF  }
0xad: {  	[dreg:$0x0] =	wrdreg $0x60  }
0xae: {  	[dreg:$0x2] =	wrdreg s24  }
0xaf: {  	[dreg:$0x3] =	wrdreg s2  }
0xb0: {  	[dreg:$0x4] =	wrdreg $0x9  }
0xb1: {  	_ =	task.clear_ibuf [dreg:s7], $0x5FFFF;
	_ =	strace $0x90000046  }
0xb2: {  	s29 =	simm.s32 $0x9;
	_ =	strace $0x80000048  }
0xb3: {  	_ =	swait.ge [sflag:s29], $0x1  }
0xb4: {  	[sflag:s29] =	ssyncadd.s32 $0xFFFFFFFF  }
0xb5: {  	_ =	strace $0x90000048  }
0xb6: {  	_ =	sfence  }
0xb7: {  	s30 =	sld [smem:$0x0];
	_ =	sdelay $0x2  }
0xb8: {  	s31 =	sshll.u32 s1, $0xD;
	s1 =	sshrl.u32 s1, $0x2  }
0xb9: {  	s3 =	sand.u32 $0x4000, s31;
	s1 =	sadd.s32 s1, s30  }
0xba: {  	s0 =	sor.u32 s3, s0;
	s1 =	sshll.u32 s1, $0x11  }
0xbb: {  	s0 =	sor.u32 s1, s0  }
0xbc: {  	s0 =	sadd.s32 $0x8F2B, s0  }
0xbd: {  	[sflag:s0] =	ssyncadd.remote.s32 $0x1  }
0xbe: {  	_ =	sfence.sel $0xFFFF  }
0xbf: {  	[dreg:$0x0] =	wrdreg $0xFFFFFFFF;
	(pc) =	sbr.abs _section_cstart, $3  }
0xc0: {  	[dreg:$0x1] =	wrdreg $0xFFFFFFFF  }
0xc1: {  	_ =	task.clear_ibuf [dreg:s7], $0x2FFFF;
	_ =	strace $0x9FFFFFFF  }
0xc2: {  	(tm) =	ssettm $0x7FFFFFFF  }
0xc3: {  	_ =	shalt  }
tec
execute0_lowered:
.L_overlay_start_1:
0x0: {  	(tag) =	ssettag $0x1  }
0x1: {  	s0 =	rddreg [dreg:$0x0];
	s1 =	srdreg.scid  }
0x2: {  	s2 =	stileid.u32;
	s6 =	rddreg [dreg:$0x1]  }
0x3: {  	s10 =	simm.s32 $0x80;
	s12 =	simm.s32 $0x2700;
	s24 =	simm.s32 $0xAF00  }
0x4: {  	s25 =	simm.s32 $0x2300;
	s28 =	simm.s32 $0x2380;
	s29 =	simm.s32 $0xBF00  }
0x5: {  	s30 =	simm.s32 $0x2400;
	s31 =	simm.s32 $0xC700;
	s9 =	simm.s32 $0x2500  }
0x6: {  	s11 =	simm.s32 $0xD700;
	s13 =	simm.s32 $0x2580;
	s14 =	simm.s32 $0xDF00  }
0x7: {  	s15 =	simm.s32 $0x2600;
	s16 =	simm.s32 $0xE700;
	s17 =	simm.s32 $0x2680  }
0x8: {  	s18 =	simm.s32 $0xEF00;
	s19 =	simm.s32 $0x1;
	s20 =	simm.s32 $0x0  }
0x9: {  	s1 =	sand.u32 $0x1, s1;
	s3 =	sshll.u32 s2, $0x1;
	s2 =	simm.s32 $0x0  }
0xa: {  	s3 =	sor.u32 s1, s3;
	[smem:$0x7FF] =	sst s2;
	s1 =	ssub.s32 $0x2, s1  }
0xb: {  	s4 =	smul.u32 $0x1A0, s3;
	_ =	strace $0x80000047;
	s7 =	sshrl.u32 s1, $0x1  }
0xc: {  	s8 =	smul.u32 $0x1A00, s3;
	s3 =	sadd.s32 $0x3C00, s0;
	s26 =	ssub.s32 s1, s7  }
0xd: {  	s1 =	simm.s32 $0x2480;
	s5 =	sadd.s32 s4, s0;
	s4 =	sadd.s32 $0x27ACC00, s0  }
0xe: {  	s6 =	sadd.s32 s6, s8;
	s7 =	smax.u32 s26, $0x1;
	s8 =	simm.s32 $0x2  }
0xf: {  	s26 =	simm.s32 $0xB700;
	s0 =	simm.s32 $0xCF00;
	s5 =	sadd.s32 $0x800, s5  }
.LBB2_1:
0x10: {  	[tilespmem:s2], [sflag:$0x2] =	stream.linear.gather [hbm4b:s5+s2], $0xD00, $0x38;
	[tilespmem:$0xF700] =	vst v63  }
0x11: {  	_ =	swait.ge [sflag:s8], $0xD00  }
0x12: {  	[sflag:s8] =	ssyncset.done $0x0  }
0x13: {  	s21 =	simm.s32 $0xD00;
	[sflag:s8] =	ssyncadd.s32 $0xFFFFF300  }
0x14: {  	[tilespmem:s21], [sflag:$0x2] =	stream.linear.gather [hbm4b:s3+s2], $0xD00, $0x38;
	[tilespmem:$0xF700] =	vst v63  }
0x15: {  	_ =	swait.ge [sflag:s8], $0xD00  }
0x16: {  	[sflag:s8] =	ssyncset.done $0x0  }
0x17: {  	s21 =	simm.s32 $0x0;
	[sflag:s8] =	ssyncadd.s32 $0xFFFFF300  }
0x18: {  	v0 =	vld [tilespmem:s21+$0x0]  }
0x19: {  	s22 =	simm.s32 $0x40;
	v1 =	vld [tilespmem:s21+$0xD00]  }
.LBB2_2:
0x1a: {  	p0 =	sne.s32 s22, $0x33C0  }
.Ltmp0:
0x1b: {  	_ = 	snop;
	(pc) =	sbr.rel @p0 .LBB2_2-.Ltmp0, $4  }
0x1c: {  	_ = 	snop  }
0x1d: {  	s23 =	sshra.s32 s22, $0x2  }
0x1e: {  	s22 =	sadd.s32 $0x40, s22;
	v2 =	vadd.s32 v0, v1;
	v0 =	vld [tilespmem:s23+$0x0]  }
0x1f: {  	v1 =	vld [tilespmem:s23+$0xD00];
	[tilespmem:s21+$0x1A00] =	vst v2;
	s21 =	smov.u32 s23  }
0x20: {  	_ =	sdelay $0x3  }
0x21: {  	v0 =	vadd.s32 v0, v1  }
0x22: {  	s22 =	simm.s32 $0x1A00;
	[tilespmem:s21+$0x1A00] =	vst v0  }
0x23: {  	[tilespmem:s12], [sflag:$0x1] =	stream.indirect.gather [hbm4b:s4+s10], $0x10, s22, s10, $0xb8;
	[tilespmem:$0xF700] =	vst v63  }
0x24: {  	s23 =	simm.s32 $0x1A80;
	s22 =	simm.s32 $0x2F00  }
0x25: {  	[tilespmem:s22], [sflag:$0x1] =	stream.indirect.gather [hbm4b:s4+s10], $0x10, s23, s10, $0xb8;
	[tilespmem:$0xF700] =	vst v63  }
0x26: {  	s22 =	simm.s32 $0x1B00;
	s23 =	simm.s32 $0x3700  }
0x27: {  	[tilespmem:s23], [sflag:$0x1] =	stream.indirect.gather [hbm4b:s4+s10], $0x10, s22, s10, $0xb8;
	[tilespmem:$0xF700] =	vst v63  }
0x28: {  	s22 =	simm.s32 $0x1B80;
	s23 =	simm.s32 $0x3F00  }
0x29: {  	[tilespmem:s23], [sflag:$0x1] =	stream.indirect.gather [hbm4b:s4+s10], $0x10, s22, s10, $0xb8;
	[tilespmem:$0xF700] =	vst v63  }
0x2a: {  	s22 =	simm.s32 $0x1C00;
	s23 =	simm.s32 $0x4700  }
0x2b: {  	[tilespmem:s23], [sflag:$0x1] =	stream.indirect.gather [hbm4b:s4+s10], $0x10, s22, s10, $0xb8;
	[tilespmem:$0xF700] =	vst v63  }
0x2c: {  	s22 =	simm.s32 $0x1C80;
	s23 =	simm.s32 $0x4F00  }
0x2d: {  	[tilespmem:s23], [sflag:$0x1] =	stream.indirect.gather [hbm4b:s4+s10], $0x10, s22, s10, $0xb8;
	[tilespmem:$0xF700] =	vst v63  }
0x2e: {  	s22 =	simm.s32 $0x1D00;
	s23 =	simm.s32 $0x5700  }
0x2f: {  	[tilespmem:s23], [sflag:$0x1] =	stream.indirect.gather [hbm4b:s4+s10], $0x10, s22, s10, $0xb8;
	[tilespmem:$0xF700] =	vst v63  }
0x30: {  	s22 =	simm.s32 $0x1D80;
	s23 =	simm.s32 $0x5F00  }
0x31: {  	[tilespmem:s23], [sflag:$0x1] =	stream.indirect.gather [hbm4b:s4+s10], $0x10, s22, s10, $0xb8;
	[tilespmem:$0xF700] =	vst v63  }
0x32: {  	s22 =	simm.s32 $0x1E00;
	s23 =	simm.s32 $0x6700  }
0x33: {  	[tilespmem:s23], [sflag:$0x1] =	stream.indirect.gather [hbm4b:s4+s10], $0x10, s22, s10, $0xb8;
	[tilespmem:$0xF700] =	vst v63  }
0x34: {  	s22 =	simm.s32 $0x1E80;
	s23 =	simm.s32 $0x6F00  }
0x35: {  	[tilespmem:s23], [sflag:$0x1] =	stream.indirect.gather [hbm4b:s4+s10], $0x10, s22, s10, $0xb8;
	[tilespmem:$0xF700] =	vst v63  }
0x36: {  	s22 =	simm.s32 $0x1F00;
	s23 =	simm.s32 $0x7700  }
0x37: {  	[tilespmem:s23], [sflag:$0x1] =	stream.indirect.gather [hbm4b:s4+s10], $0x10, s22, s10, $0xb8;
	[tilespmem:$0xF700] =	vst v63  }
0x38: {  	s22 =	simm.s32 $0x1F80;
	s23 =	simm.s32 $0x7F00  }
0x39: {  	[tilespmem:s23], [sflag:$0x1] =	stream.indirect.gather [hbm4b:s4+s10], $0x10, s22, s10, $0xb8;
	[tilespmem:$0xF700] =	vst v63  }
0x3a: {  	s22 =	simm.s32 $0x2000;
	s23 =	simm.s32 $0x8700  }
0x3b: {  	[tilespmem:s23], [sflag:$0x1] =	stream.indirect.gather [hbm4b:s4+s10], $0x10, s22, s10, $0xb8;
	[tilespmem:$0xF700] =	vst v63  }
0x3c: {  	s22 =	simm.s32 $0x2080;
	s23 =	simm.s32 $0x8F00  }
0x3d: {  	[tilespmem:s23], [sflag:$0x1] =	stream.indirect.gather [hbm4b:s4+s10], $0x10, s22, s10, $0xb8;
	[tilespmem:$0xF700] =	vst v63  }
0x3e: {  	s22 =	simm.s32 $0x2100;
	s23 =	simm.s32 $0x9700  }
0x3f: {  	[tilespmem:s23], [sflag:$0x1] =	stream.indirect.gather [hbm4b:s4+s10], $0x10, s22, s10, $0xb8;
	[tilespmem:$0xF700] =	vst v63  }
0x40: {  	s22 =	simm.s32 $0x2180;
	s23 =	simm.s32 $0x9F00  }
0x41: {  	[tilespmem:s23], [sflag:$0x1] =	stream.indirect.gather [hbm4b:s4+s10], $0x10, s22, s10, $0xb8;
	[tilespmem:$0xF700] =	vst v63  }
0x42: {  	s22 =	simm.s32 $0x2200;
	s23 =	simm.s32 $0xA700  }
0x43: {  	[tilespmem:s23], [sflag:$0x1] =	stream.indirect.gather [hbm4b:s4+s10], $0x10, s22, s10, $0xb8;
	[tilespmem:$0xF700] =	vst v63  }
0x44: {  	s23 =	simm.s32 $0x2280  }
0x45: {  	[tilespmem:s24], [sflag:$0x1] =	stream.indirect.gather [hbm4b:s4+s10], $0x10, s23, s10, $0xb8;
	[tilespmem:$0xF700] =	vst v63  }
0x46: {  	_ = 	snop  }
0x47: {  	[tilespmem:s26], [sflag:$0x1] =	stream.indirect.gather [hbm4b:s4+s10], $0x10, s25, s10, $0xb8;
	[tilespmem:$0xF700] =	vst v63  }
0x48: {  	_ = 	snop  }
0x49: {  	[tilespmem:s29], [sflag:$0x1] =	stream.indirect.gather [hbm4b:s4+s10], $0x10, s28, s10, $0xb8;
	[tilespmem:$0xF700] =	vst v63  }
0x4a: {  	_ = 	snop  }
0x4b: {  	[tilespmem:s31], [sflag:$0x1] =	stream.indirect.gather [hbm4b:s4+s10], $0x10, s30, s10, $0xb8;
	[tilespmem:$0xF700] =	vst v63  }
0x4c: {  	_ = 	snop  }
0x4d: {  	[tilespmem:s0], [sflag:$0x1] =	stream.indirect.gather [hbm4b:s4+s10], $0x10, s1, s10, $0xb8;
	[tilespmem:$0xF700] =	vst v63  }
0x4e: {  	_ = 	snop  }
0x4f: {  	[tilespmem:s11], [sflag:$0x1] =	stream.indirect.gather [hbm4b:s4+s10], $0x10, s9, s10, $0xb8;
	[tilespmem:$0xF700] =	vst v63  }
0x50: {  	_ = 	snop  }
0x51: {  	[tilespmem:s14], [sflag:$0x1] =	stream.indirect.gather [hbm4b:s4+s10], $0x10, s13, s10, $0xb8;
	[tilespmem:$0xF700] =	vst v63  }
0x52: {  	_ = 	snop  }
0x53: {  	[tilespmem:s16], [sflag:$0x1] =	stream.indirect.gather [hbm4b:s4+s10], $0x10, s15, s10, $0xb8;
	[tilespmem:$0xF700] =	vst v63  }
0x54: {  	_ = 	snop  }
0x55: {  	[tilespmem:s18], [sflag:$0x1] =	stream.indirect.gather [hbm4b:s4+s10], $0x10, s17, s10, $0xb8;
	[tilespmem:$0xF700] =	vst v63  }
0x56: {  	s20 =	sadd.s32 $0x1, s20;
	_ =	swait.ge [sflag:s19], $0xD000  }
0x57: {  	p0 =	sne.s32 s20, s7;
	[sflag:s19] =	ssyncset.done $0x0  }
.Ltmp1:
0x58: {  	[sflag:s19] =	ssyncadd.s32 $0xFFFF3000;
	(pc) =	sbr.rel @p0 .LBB2_1-.Ltmp1, $4  }
0x59: {  	[hbm4b:s6+s2] =	stream.linear.scatter [tilespmem:s12], [sflag:$0x2], $0xD000, $0x38;
	[tilespmem:$0xF700] =	vst v63  }
0x5a: {  	_ =	swait.ge [sflag:s8], $0xD000  }
0x5b: {  	[sflag:s8] =	ssyncset.done $0x0  }
0x5c: {  	[sflag:s8] =	ssyncadd.s32 $0xFFFF3000  }
0x5d: {  	_ =	sfence.sel $0x180000  }
0x5e: {  	[bflag:$0x0] =	sbarrier.arrive $0xFFFF  }
0x5f: {  	_ =	strace $0x90000047  }
0x60: {  	s0 =	stileid.u32;
	[bflag:$0x2] =	sbarrier.arrive $0xFFFF  }
0x61: {  	p0 =	sne.s32 s0, $0x0;
	s0 =	rddreg [dreg:$0x2]  }
0x62: {  	s0 =	sadd.s32 @!p0 $0x100000, s0  }
0x63: {  	[sflag:s0] =	ssyncadd.tile.s32 @!p0 $0x1;
	_ =	shalt  }
.Lfunc_end2:
_tile_overlayer_lowered:
.L_overlay_start_2:
0x64: {  	(tag) =	ssettag $0x2  }
0x65: {  	s0 =	rddreg [dreg:$0x0];
	s2 =	stileid.u32  }
0x66: {  	s1 =	rddreg [dreg:$0x1];
	p0 =	sne.s32 s2, $0x0  }
0x67: {  	s3 =	rddreg [dreg:$0x2];
	[bflag:$0x3] =	sbarrier.arrive $0xFFFF;
	s2 =	simm.s32 @!p0 $0x1C02  }
0x68: {  	[timem:s3], [sflag:s2] =	dma.local @!p0 [hbm:s0], s1  }
0x69: {  	s0 =	simm.s32 @!p0 $0x2  }
0x6a: {  	_ =	swait.ge @!p0 [sflag:s0], s1  }
0x6b: {  	s1 =	ssub.s32 @!p0 $0x0, s1;
	[sflag:s0] =	ssyncset.done @!p0 $0x0  }
0x6c: {  	[sflag:s0] =	ssyncadd.s32 @!p0 s1  }
0x6d: {  	[bflag:$0x3] =	sbarrier.arrive $0xFFFF  }
0x6e: {  	_ =	shalt  }

</sc_bundles>
